<compile_context>
chip_gen: v7x
topology: tpu7x:2x2x1
jax: 0.10.2.dev20260603
libtpu: 0.0.44.dev20260713+nightly
codegen_flags: <defaults>
</compile_context>

<pallas_src>
import jax
import jax.numpy as jnp
from jax import lax
from jax.experimental import pallas as pl
from jax.experimental.pallas import tpu as pltpu
from jax.experimental.pallas import tpu_sc as plsc

_N_POP = 1000
_EMBED_DIM = 32
_N_AF = 16
_TOTAL_DIM = _EMBED_DIM + _N_AF
_BATCH = 16384

_NC = 1
_NS = 16
_NW = _NC * _NS
_BPW = _BATCH // _NW
_PACK = 128 // _EMBED_DIM
_GRP = 4096
_SUB = _GRP // _PACK
_BLK = 8192


def _sc_gather_body(table_hbm, idx_hbm, out_hbm, idx_v, rows_v, sem):
    wid = lax.axis_index("s") * _NC + lax.axis_index("c")
    base = wid * _BPW
    pltpu.sync_copy(idx_hbm.at[pl.ds(base, _BPW)], idx_v)
    pltpu.async_copy(table_hbm.at[idx_v], rows_v, sem).wait()
    nsub = _NW // (_BATCH // _GRP)
    sub = wid % nsub
    blk = wid // nsub
    r0 = _SUB * blk + (_BPW * sub) % _SUB
    c0 = _EMBED_DIM * ((_BPW * sub) // _SUB)
    pltpu.sync_copy(rows_v, out_hbm.at[pl.ds(r0, _BPW), pl.ds(c0, _EMBED_DIM)])


def _sc_gather_packed(table, idx):
    mesh = plsc.VectorSubcoreMesh(
        core_axis_name="c", subcore_axis_name="s", num_cores=_NC)
    return pl.kernel(
        _sc_gather_body,
        out_type=jax.ShapeDtypeStruct((_BATCH // _PACK, 128), jnp.float32),
        mesh=mesh,
        compiler_params=pltpu.CompilerParams(use_tc_tiling_on_sc=False),
        scratch_types=[
            pltpu.VMEM((_BPW,), jnp.int32),
            pltpu.VMEM((_BPW, _EMBED_DIM), jnp.float32),
            pltpu.SemaphoreType.DMA,
        ],
    )(table, idx)


def _dense_body(e4_ref, at_ref, w1_ref, w2_ref, b_ref, g_ref, beta_ref, out_ref):
    e4 = e4_ref[:]
    parts = [
        lax.dot_general(
            w1_ref[:],
            e4[gi * _SUB:(gi + 1) * _SUB, q * _EMBED_DIM:(q + 1) * _EMBED_DIM],
            (((1,), (1,)), ((), ())),
            preferred_element_type=jnp.float32,
        )
        for gi in range(_BLK // _GRP)
        for q in range(_PACK)
    ]
    h = jnp.concatenate(parts, axis=1)
    h = h + lax.dot_general(
        w2_ref[:], at_ref[:],
        (((1,), (0,)), ((), ())),
        preferred_element_type=jnp.float32,
    )
    bcol = lax.broadcast_in_dim(b_ref[:], (_TOTAL_DIM, 1), (0,))
    gcol = lax.broadcast_in_dim(g_ref[:], (_TOTAL_DIM, 1), (0,))
    betacol = lax.broadcast_in_dim(beta_ref[:], (_TOTAL_DIM, 1), (0,))
    h = h + bcol
    mu = jnp.mean(h, axis=0, keepdims=True)
    xc = h - mu
    var = jnp.mean(xc * xc, axis=0, keepdims=True)
    y = xc * lax.rsqrt(var + 1e-5) * gcol + betacol
    out_ref[:] = jnp.maximum(y, 0.0)


def _dense_t(emb4, afT, W, b, gamma, beta):
    w1 = W[:, :_EMBED_DIM]
    w2 = W[:, _EMBED_DIM:]
    grid = (_BATCH // _BLK,)
    return pl.pallas_call(
        _dense_body,
        grid=grid,
        in_specs=[
            pl.BlockSpec((_BLK // _PACK, 128), lambda i: (i, 0)),
            pl.BlockSpec((_N_AF, _BLK), lambda i: (0, i)),
            pl.BlockSpec((_TOTAL_DIM, _EMBED_DIM), lambda i: (0, 0)),
            pl.BlockSpec((_TOTAL_DIM, _N_AF), lambda i: (0, 0)),
            pl.BlockSpec((_TOTAL_DIM,), lambda i: (0,)),
            pl.BlockSpec((_TOTAL_DIM,), lambda i: (0,)),
            pl.BlockSpec((_TOTAL_DIM,), lambda i: (0,)),
        ],
        out_specs=pl.BlockSpec((_TOTAL_DIM, _BLK), lambda i: (0, i)),
        out_shape=jax.ShapeDtypeStruct((_TOTAL_DIM, _BATCH), jnp.float32),
    )(emb4, afT, w1, w2, b, gamma, beta)


def kernel(population_id, allele_freq_features, table, W, b, gamma, beta):
    emb4 = _sc_gather_packed(table, population_id)
    outT = _dense_t(emb4, allele_freq_features.T, W, b, gamma, beta)
    return outT.T

# --- scband reference (transcript-rebuilt; emitter-appended) ---
"""Pipeline reference for scband-population-embedding-27934467293646 (READ-ONLY COPY).

The authoritative reference and input builder live on the scoring server;
editing this copy changes nothing except your own understanding.
"""

import jax, jax.numpy as jnp
import numpy as np

N_POP = 1000
EMBED_DIM = 32
N_AF = 16
TOTAL_DIM = EMBED_DIM + N_AF
BATCH = 16384


def setup_inputs(seed: int = 0) -> dict:
    key = jax.random.key(seed)
    k1, k2, k3, k4, k5 = jax.random.split(key, 5)
    population_id = jax.random.randint(k1, (BATCH,), 0, N_POP, dtype=jnp.int64 if jax.config.jax_enable_x64 else jnp.int32).astype(jnp.int32)
    allele_freq_features = jax.random.normal(k2, (BATCH, N_AF), dtype=jnp.float32)
    # learned params
    table = jax.random.normal(k3, (N_POP, EMBED_DIM), dtype=jnp.float32)
    W = jax.random.normal(k4, (TOTAL_DIM, TOTAL_DIM), dtype=jnp.float32) * (1.0 / np.sqrt(TOTAL_DIM))
    b = jnp.zeros((TOTAL_DIM,), dtype=jnp.float32)
    gamma = jnp.ones((TOTAL_DIM,), dtype=jnp.float32)
    beta = jnp.zeros((TOTAL_DIM,), dtype=jnp.float32)
    return {
        "population_id": population_id,
        "allele_freq_features": allele_freq_features,
        "table": table,
        "W": W,
        "b": b,
        "gamma": gamma,
        "beta": beta,
    }


def reference(population_id, allele_freq_features, table, W, b, gamma, beta):
    # embedding lookup (gather)
    emb = jnp.take(table, population_id, axis=0)
    # concat continuous allele-frequency features
    h = jnp.concatenate([emb, allele_freq_features], axis=-1)
    # Linear
    h = h @ W.T + b
    # LayerNorm
    mu = jnp.mean(h, axis=-1, keepdims=True)
    var = jnp.var(h, axis=-1, keepdims=True)
    h = (h - mu) / jnp.sqrt(var + 1e-5) * gamma + beta
    # ReLU (Dropout is identity in eval mode)
    return jax.nn.relu(h)

if __name__ == "__main__":
    import jax
    _d = setup_inputs()
    print(jax.jit(kernel)(*tuple(_d.values())))

</pallas_src>

<mosaic_0001>
#map = affine_map<(d0, d1) -> (0, 0)>
#map1 = affine_map<(d0, d1) -> (0)>
module attributes {stable_mosaic.version = 14 : i64} {
  func.func @_sc_gather_body(%arg0: i32, %arg1: i32, %arg2: memref<1000x32xf32, #tpu.memory_space<hbm>>, %arg3: memref<16384xi32, #tpu.memory_space<hbm>>, %arg4: memref<4096x128xf32, #tpu.memory_space<hbm>>, %arg5: memref<1024xi32, #tpu.memory_space<vmem>>, %arg6: memref<1024x32xf32, #tpu.memory_space<vmem>>, %arg7: memref<!tpu.dma_semaphore, #tpu.memory_space<semaphore_mem>>) attributes {dimension_semantics = [#tpu.dimension_semantics<core_parallel>, #tpu.dimension_semantics<subcore_parallel>], iteration_bounds = array<i64: 1, 16>, scalar_prefetch = 0 : i64, scratch_operands = 3 : i64, tpu.core_type = #tpu.core_type<sc_vector_subcore>, window_params = [{transform_indices = #map}, {transform_indices = #map1}, {transform_indices = #map}]} {
    %mul3A = arith.constant 1 : i32
    %mul3A_0 = arith.muli %arg1, %mul3A : i32
    %add3A = arith.addi %mul3A_0, %arg0 : i32
    %mul3A_1 = arith.constant 1024 : i32
    %mul3A_2 = arith.muli %add3A, %mul3A_1 : i32
    "tpu.region"() ({
      %run_scoped3A = tpu.sem_alloc : memref<!tpu.dma_semaphore, #tpu.memory_space<semaphore_mem>>
      %dma_start3A_86 = tpu.memref_slice %arg3[%mul3A_2] : memref<16384xi32, #tpu.memory_space<hbm>> -> memref<1024xi32, #tpu.memory_space<hbm>>
      %dma_start3A_87 = tpu.memref_slice %arg3[%mul3A_2] : memref<16384xi32, #tpu.memory_space<hbm>> -> memref<1024xi32, #tpu.memory_space<hbm>>
      tpu.enqueue_dma source(%dma_start3A_87 : memref<1024xi32, #tpu.memory_space<hbm>>) target(%arg5 : memref<1024xi32, #tpu.memory_space<vmem>>) target_semaphore(%run_scoped3A : memref<!tpu.dma_semaphore, #tpu.memory_space<semaphore_mem>>)
      %dma_wait3A_88 = tpu.memref_slice %arg3[%mul3A_2] : memref<16384xi32, #tpu.memory_space<hbm>> -> memref<1024xi32, #tpu.memory_space<hbm>>
      %dma_wait3A_89 = tpu.memref_slice %arg3[%mul3A_2] : memref<16384xi32, #tpu.memory_space<hbm>> -> memref<1024xi32, #tpu.memory_space<hbm>>
      tpu.wait_dma2 semaphore(%run_scoped3A : memref<!tpu.dma_semaphore, #tpu.memory_space<semaphore_mem>>) src(%dma_wait3A_89 : memref<1024xi32, #tpu.memory_space<hbm>>) dst(%arg5 : memref<1024xi32, #tpu.memory_space<vmem>>)
      tpu.yield
    }) : () -> ()
    %dma_start3A = arith.constant 0 : i32
    %dma_start3A_3 = arith.constant 0 : i32
    %dma_start3A_4 = tpu.memref_slice %arg2[%dma_start3A, %dma_start3A_3] : memref<1000x32xf32, #tpu.memory_space<hbm>> -> memref<1000x32xf32, #tpu.memory_space<hbm>>
    tpu.enqueue_indirect_dma source(%dma_start3A_4 : memref<1000x32xf32, #tpu.memory_space<hbm>>) target(%arg6 : memref<1024x32xf32, #tpu.memory_space<vmem>>) offsets(%arg5 : memref<1024xi32, #tpu.memory_space<vmem>>) semaphore(%arg7 : memref<!tpu.dma_semaphore, #tpu.memory_space<semaphore_mem>>)
    %dma_wait3A = arith.constant 0 : i32
    %dma_wait3A_5 = arith.constant 0 : i32
    %dma_wait3A_6 = tpu.memref_slice %arg2[%dma_wait3A, %dma_wait3A_5] : memref<1000x32xf32, #tpu.memory_space<hbm>> -> memref<1000x32xf32, #tpu.memory_space<hbm>>
    tpu.wait_indirect_dma semaphore(%arg7 : memref<!tpu.dma_semaphore, #tpu.memory_space<semaphore_mem>>) src(%dma_wait3A_6 : memref<1000x32xf32, #tpu.memory_space<hbm>>) dst(%arg6 : memref<1024x32xf32, #tpu.memory_space<vmem>>)
    %jit3A = arith.constant 4 : i32
    %eq3A = arith.constant 0 : i32
    %eq3A_7 = arith.cmpi eq, %jit3A, %eq3A : i32
    %jit3A_8 = arith.constant 1 : i32
    %select_n3A = arith.select %eq3A_7, %jit3A_8, %jit3A : i32
    %rem3A = arith.remsi %add3A, %select_n3A : i32
    %ne3A = arith.constant 0 : i32
    %ne3A_9 = arith.cmpi ne, %rem3A, %ne3A : i32
    %lt3A = arith.constant 0 : i32
    %lt3A_10 = arith.cmpi slt, %rem3A, %lt3A : i32
    %lt3A_11 = arith.constant 0 : i32
    %lt3A_12 = arith.cmpi slt, %select_n3A, %lt3A_11 : i32
    %ne3A_13 = arith.xori %lt3A_10, %lt3A_12 : i1
    %and3A = arith.andi %ne3A_13, %ne3A_9 : i1
    %add3A_14 = arith.addi %rem3A, %select_n3A : i32
    %select_n3A_15 = arith.select %and3A, %add3A_14, %rem3A : i32
    %jit3A_16 = arith.constant 4 : i32
    %div3A = arith.divsi %add3A, %jit3A_16 : i32
    %sign3A = arith.constant 0 : i32
    %sign3A_17 = arith.cmpi sgt, %add3A, %sign3A : i32
    %sign3A_18 = arith.extui %sign3A_17 : i1 to i32
    %sign3A_19 = arith.constant 0 : i32
    %sign3A_20 = arith.cmpi slt, %add3A, %sign3A_19 : i32
    %sign3A_21 = arith.extui %sign3A_20 : i1 to i32
    %sign3A_22 = arith.subi %sign3A_18, %sign3A_21 : i32
    %sign3A_23 = arith.constant 0 : i32
    %sign3A_24 = arith.cmpi sgt, %jit3A_16, %sign3A_23 : i32
    %sign3A_25 = arith.extui %sign3A_24 : i1 to i32
    %sign3A_26 = arith.constant 0 : i32
    %sign3A_27 = arith.cmpi slt, %jit3A_16, %sign3A_26 : i32
    %sign3A_28 = arith.extui %sign3A_27 : i1 to i32
    %sign3A_29 = arith.subi %sign3A_25, %sign3A_28 : i32
    %ne3A_30 = arith.cmpi ne, %sign3A_22, %sign3A_29 : i32
    %rem3A_31 = arith.remsi %add3A, %jit3A_16 : i32
    %ne3A_32 = arith.constant 0 : i32
    %ne3A_33 = arith.cmpi ne, %rem3A_31, %ne3A_32 : i32
    %and3A_34 = arith.andi %ne3A_30, %ne3A_33 : i1
    %sub3A = arith.constant 1 : i32
    %sub3A_35 = arith.subi %div3A, %sub3A : i32
    %select_n3A_36 = arith.select %and3A_34, %sub3A_35, %div3A : i32
    %mul3A_37 = arith.constant 1024 : i32
    %mul3A_38 = arith.muli %mul3A_37, %select_n3A_36 : i32
    %mul3A_39 = arith.constant 1024 : i32
    %mul3A_40 = arith.muli %mul3A_39, %select_n3A_15 : i32
    %jit3A_41 = arith.constant 1024 : i32
    %eq3A_42 = arith.constant 0 : i32
    %eq3A_43 = arith.cmpi eq, %jit3A_41, %eq3A_42 : i32
    %jit3A_44 = arith.constant 1 : i32
    %select_n3A_45 = arith.select %eq3A_43, %jit3A_44, %jit3A_41 : i32
    %rem3A_46 = arith.remsi %mul3A_40, %select_n3A_45 : i32
    %ne3A_47 = arith.constant 0 : i32
    %ne3A_48 = arith.cmpi ne, %rem3A_46, %ne3A_47 : i32
    %lt3A_49 = arith.constant 0 : i32
    %lt3A_50 = arith.cmpi slt, %rem3A_46, %lt3A_49 : i32
    %lt3A_51 = arith.constant 0 : i32
    %lt3A_52 = arith.cmpi slt, %select_n3A_45, %lt3A_51 : i32
    %ne3A_53 = arith.xori %lt3A_50, %lt3A_52 : i1
    %and3A_54 = arith.andi %ne3A_53, %ne3A_48 : i1
    %add3A_55 = arith.addi %rem3A_46, %select_n3A_45 : i32
    %select_n3A_56 = arith.select %and3A_54, %add3A_55, %rem3A_46 : i32
    %add3A_57 = arith.addi %mul3A_38, %select_n3A_56 : i32
    %mul3A_58 = arith.constant 1024 : i32
    %mul3A_59 = arith.muli %mul3A_58, %select_n3A_15 : i32
    %jit3A_60 = arith.constant 1024 : i32
    %div3A_61 = arith.divsi %mul3A_59, %jit3A_60 : i32
    %sign3A_62 = arith.constant 0 : i32
    %sign3A_63 = arith.cmpi sgt, %mul3A_59, %sign3A_62 : i32
    %sign3A_64 = arith.extui %sign3A_63 : i1 to i32
    %sign3A_65 = arith.constant 0 : i32
    %sign3A_66 = arith.cmpi slt, %mul3A_59, %sign3A_65 : i32
    %sign3A_67 = arith.extui %sign3A_66 : i1 to i32
    %sign3A_68 = arith.subi %sign3A_64, %sign3A_67 : i32
    %sign3A_69 = arith.constant 0 : i32
    %sign3A_70 = arith.cmpi sgt, %jit3A_60, %sign3A_69 : i32
    %sign3A_71 = arith.extui %sign3A_70 : i1 to i32
    %sign3A_72 = arith.constant 0 : i32
    %sign3A_73 = arith.cmpi slt, %jit3A_60, %sign3A_72 : i32
    %sign3A_74 = arith.extui %sign3A_73 : i1 to i32
    %sign3A_75 = arith.subi %sign3A_71, %sign3A_74 : i32
    %ne3A_76 = arith.cmpi ne, %sign3A_68, %sign3A_75 : i32
    %rem3A_77 = arith.remsi %mul3A_59, %jit3A_60 : i32
    %ne3A_78 = arith.constant 0 : i32
    %ne3A_79 = arith.cmpi ne, %rem3A_77, %ne3A_78 : i32
    %and3A_80 = arith.andi %ne3A_76, %ne3A_79 : i1
    %sub3A_81 = arith.constant 1 : i32
    %sub3A_82 = arith.subi %div3A_61, %sub3A_81 : i32
    %select_n3A_83 = arith.select %and3A_80, %sub3A_82, %div3A_61 : i32
    %mul3A_84 = arith.constant 32 : i32
    %mul3A_85 = arith.muli %mul3A_84, %select_n3A_83 : i32
    "tpu.region"() ({
      %run_scoped3A = tpu.sem_alloc : memref<!tpu.dma_semaphore, #tpu.memory_space<semaphore_mem>>
      %dma_start3A_86 = tpu.memref_slice %arg4[%add3A_57, %mul3A_85] : memref<4096x128xf32, #tpu.memory_space<hbm>> -> memref<1024x32xf32, #tpu.memory_space<hbm>>
      %dma_start3A_87 = tpu.memref_slice %arg4[%add3A_57, %mul3A_85] : memref<4096x128xf32, #tpu.memory_space<hbm>> -> memref<1024x32xf32, #tpu.memory_space<hbm>>
      tpu.enqueue_dma source(%arg6 : memref<1024x32xf32, #tpu.memory_space<vmem>>) target(%dma_start3A_87 : memref<1024x32xf32, #tpu.memory_space<hbm>>) target_semaphore(%run_scoped3A : memref<!tpu.dma_semaphore, #tpu.memory_space<semaphore_mem>>)
      %dma_wait3A_88 = tpu.memref_slice %arg4[%add3A_57, %mul3A_85] : memref<4096x128xf32, #tpu.memory_space<hbm>> -> memref<1024x32xf32, #tpu.memory_space<hbm>>
      %dma_wait3A_89 = tpu.memref_slice %arg4[%add3A_57, %mul3A_85] : memref<4096x128xf32, #tpu.memory_space<hbm>> -> memref<1024x32xf32, #tpu.memory_space<hbm>>
      tpu.wait_dma2 semaphore(%run_scoped3A : memref<!tpu.dma_semaphore, #tpu.memory_space<semaphore_mem>>) src(%arg6 : memref<1024x32xf32, #tpu.memory_space<vmem>>) dst(%dma_wait3A_89 : memref<1024x32xf32, #tpu.memory_space<hbm>>)
      tpu.yield
    }) : () -> ()
    return
  }
}

module attributes {stable_mosaic.version = 14 : i64} {
  func.func @_dense_body(%arg0: i32, %arg1: memref<2048x128xf32, #tpu.memory_space<vmem>>, %arg2: memref<16x8192xf32, #tpu.memory_space<vmem>>, %arg3: memref<48x32xf32, #tpu.memory_space<vmem>>, %arg4: memref<48x16xf32, #tpu.memory_space<vmem>>, %arg5: memref<48xf32, #tpu.memory_space<vmem>>, %arg6: memref<48xf32, #tpu.memory_space<vmem>>, %arg7: memref<48xf32, #tpu.memory_space<vmem>>, %arg8: memref<48x8192xf32, #tpu.memory_space<vmem>>) attributes {dimension_semantics = [#tpu.dimension_semantics<arbitrary>], iteration_bounds = array<i64: 2>, scalar_prefetch = 0 : i64, scratch_operands = 0 : i64, tpu.core_type = #tpu.core_type<tc>, window_params = [{transform_indices = @transform_0, window_bounds = array<i64: 2048, 128>}, {transform_indices = @transform_1, window_bounds = array<i64: 16, 8192>}, {pipeline_mode = #tpu.pipeline_mode<synchronous>, transform_indices = @transform_2, window_bounds = array<i64: 48, 32>}, {pipeline_mode = #tpu.pipeline_mode<synchronous>, transform_indices = @transform_3, window_bounds = array<i64: 48, 16>}, {pipeline_mode = #tpu.pipeline_mode<synchronous>, transform_indices = @transform_4, window_bounds = array<i64: 48>}, {pipeline_mode = #tpu.pipeline_mode<synchronous>, transform_indices = @transform_5, window_bounds = array<i64: 48>}, {pipeline_mode = #tpu.pipeline_mode<synchronous>, transform_indices = @transform_6, window_bounds = array<i64: 48>}, {transform_indices = @transform_7, window_bounds = array<i64: 48, 8192>}]} {
    %get3A = arith.constant 0 : index
    %get3A_0 = arith.constant 0 : index
    %get3A_1 = vector.load %arg1[%get3A, %get3A_0] : memref<2048x128xf32, #tpu.memory_space<vmem>>, vector<2048x128xf32>
    %get3A_2 = arith.constant 0 : index
    %get3A_3 = arith.constant 0 : index
    %get3A_4 = vector.load %arg3[%get3A_2, %get3A_3] : memref<48x32xf32, #tpu.memory_space<vmem>>, vector<48x32xf32>
    %slice3A = vector.extract_strided_slice %get3A_1 {offsets = [0, 0], sizes = [1024, 32], strides = [1, 1]} : vector<2048x128xf32> to vector<1024x32xf32>
    %dot_general3A = arith.constant dense<0.000000e+00> : vector<48x1024xf32>
    %dot_general3A_5 = tpu.matmul %get3A_4, %slice3A, %dot_general3A {dimension_numbers = #tpu.dot_dimension_numbers<[1], [1], [0], [0], [0, 0, 1, 0], [], []>, transpose_lhs_hint = false} : vector<48x32xf32>, vector<1024x32xf32>, vector<48x1024xf32> -> vector<48x1024xf32>
    %get3A_6 = arith.constant 0 : index
    %get3A_7 = arith.constant 0 : index
    %get3A_8 = vector.load %arg3[%get3A_6, %get3A_7] : memref<48x32xf32, #tpu.memory_space<vmem>>, vector<48x32xf32>
    %slice3A_9 = vector.extract_strided_slice %get3A_1 {offsets = [0, 32], sizes = [1024, 32], strides = [1, 1]} : vector<2048x128xf32> to vector<1024x32xf32>
    %dot_general3A_10 = arith.constant dense<0.000000e+00> : vector<48x1024xf32>
    %dot_general3A_11 = tpu.matmul %get3A_8, %slice3A_9, %dot_general3A_10 {dimension_numbers = #tpu.dot_dimension_numbers<[1], [1], [0], [0], [0, 0, 1, 0], [], []>, transpose_lhs_hint = false} : vector<48x32xf32>, vector<1024x32xf32>, vector<48x1024xf32> -> vector<48x1024xf32>
    %get3A_12 = arith.constant 0 : index
    %get3A_13 = arith.constant 0 : index
    %get3A_14 = vector.load %arg3[%get3A_12, %get3A_13] : memref<48x32xf32, #tpu.memory_space<vmem>>, vector<48x32xf32>
    %slice3A_15 = vector.extract_strided_slice %get3A_1 {offsets = [0, 64], sizes = [1024, 32], strides = [1, 1]} : vector<2048x128xf32> to vector<1024x32xf32>
    %dot_general3A_16 = arith.constant dense<0.000000e+00> : vector<48x1024xf32>
    %dot_general3A_17 = tpu.matmul %get3A_14, %slice3A_15, %dot_general3A_16 {dimension_numbers = #tpu.dot_dimension_numbers<[1], [1], [0], [0], [0, 0, 1, 0], [], []>, transpose_lhs_hint = false} : vector<48x32xf32>, vector<1024x32xf32>, vector<48x1024xf32> -> vector<48x1024xf32>
    %get3A_18 = arith.constant 0 : index
    %get3A_19 = arith.constant 0 : index
    %get3A_20 = vector.load %arg3[%get3A_18, %get3A_19] : memref<48x32xf32, #tpu.memory_space<vmem>>, vector<48x32xf32>
    %slice3A_21 = vector.extract_strided_slice %get3A_1 {offsets = [0, 96], sizes = [1024, 32], strides = [1, 1]} : vector<2048x128xf32> to vector<1024x32xf32>
    %dot_general3A_22 = arith.constant dense<0.000000e+00> : vector<48x1024xf32>
    %dot_general3A_23 = tpu.matmul %get3A_20, %slice3A_21, %dot_general3A_22 {dimension_numbers = #tpu.dot_dimension_numbers<[1], [1], [0], [0], [0, 0, 1, 0], [], []>, transpose_lhs_hint = false} : vector<48x32xf32>, vector<1024x32xf32>, vector<48x1024xf32> -> vector<48x1024xf32>
    %get3A_24 = arith.constant 0 : index
    %get3A_25 = arith.constant 0 : index
    %get3A_26 = vector.load %arg3[%get3A_24, %get3A_25] : memref<48x32xf32, #tpu.memory_space<vmem>>, vector<48x32xf32>
    %slice3A_27 = vector.extract_strided_slice %get3A_1 {offsets = [1024, 0], sizes = [1024, 32], strides = [1, 1]} : vector<2048x128xf32> to vector<1024x32xf32>
    %dot_general3A_28 = arith.constant dense<0.000000e+00> : vector<48x1024xf32>
    %dot_general3A_29 = tpu.matmul %get3A_26, %slice3A_27, %dot_general3A_28 {dimension_numbers = #tpu.dot_dimension_numbers<[1], [1], [0], [0], [0, 0, 1, 0], [], []>, transpose_lhs_hint = false} : vector<48x32xf32>, vector<1024x32xf32>, vector<48x1024xf32> -> vector<48x1024xf32>
    %get3A_30 = arith.constant 0 : index
    %get3A_31 = arith.constant 0 : index
    %get3A_32 = vector.load %arg3[%get3A_30, %get3A_31] : memref<48x32xf32, #tpu.memory_space<vmem>>, vector<48x32xf32>
    %slice3A_33 = vector.extract_strided_slice %get3A_1 {offsets = [1024, 32], sizes = [1024, 32], strides = [1, 1]} : vector<2048x128xf32> to vector<1024x32xf32>
    %dot_general3A_34 = arith.constant dense<0.000000e+00> : vector<48x1024xf32>
    %dot_general3A_35 = tpu.matmul %get3A_32, %slice3A_33, %dot_general3A_34 {dimension_numbers = #tpu.dot_dimension_numbers<[1], [1], [0], [0], [0, 0, 1, 0], [], []>, transpose_lhs_hint = false} : vector<48x32xf32>, vector<1024x32xf32>, vector<48x1024xf32> -> vector<48x1024xf32>
    %get3A_36 = arith.constant 0 : index
    %get3A_37 = arith.constant 0 : index
    %get3A_38 = vector.load %arg3[%get3A_36, %get3A_37] : memref<48x32xf32, #tpu.memory_space<vmem>>, vector<48x32xf32>
    %slice3A_39 = vector.extract_strided_slice %get3A_1 {offsets = [1024, 64], sizes = [1024, 32], strides = [1, 1]} : vector<2048x128xf32> to vector<1024x32xf32>
    %dot_general3A_40 = arith.constant dense<0.000000e+00> : vector<48x1024xf32>
    %dot_general3A_41 = tpu.matmul %get3A_38, %slice3A_39, %dot_general3A_40 {dimension_numbers = #tpu.dot_dimension_numbers<[1], [1], [0], [0], [0, 0, 1, 0], [], []>, transpose_lhs_hint = false} : vector<48x32xf32>, vector<1024x32xf32>, vector<48x1024xf32> -> vector<48x1024xf32>
    %get3A_42 = arith.constant 0 : index
    %get3A_43 = arith.constant 0 : index
    %get3A_44 = vector.load %arg3[%get3A_42, %get3A_43] : memref<48x32xf32, #tpu.memory_space<vmem>>, vector<48x32xf32>
    %slice3A_45 = vector.extract_strided_slice %get3A_1 {offsets = [1024, 96], sizes = [1024, 32], strides = [1, 1]} : vector<2048x128xf32> to vector<1024x32xf32>
    %dot_general3A_46 = arith.constant dense<0.000000e+00> : vector<48x1024xf32>
    %dot_general3A_47 = tpu.matmul %get3A_44, %slice3A_45, %dot_general3A_46 {dimension_numbers = #tpu.dot_dimension_numbers<[1], [1], [0], [0], [0, 0, 1, 0], [], []>, transpose_lhs_hint = false} : vector<48x32xf32>, vector<1024x32xf32>, vector<48x1024xf32> -> vector<48x1024xf32>
    %concatenate3A = tpu.concatenate %dot_general3A_5, %dot_general3A_11, %dot_general3A_17, %dot_general3A_23, %dot_general3A_29, %dot_general3A_35, %dot_general3A_41, %dot_general3A_47 in 1 : vector<48x1024xf32>, vector<48x1024xf32>, vector<48x1024xf32>, vector<48x1024xf32>, vector<48x1024xf32>, vector<48x1024xf32>, vector<48x1024xf32>, vector<48x1024xf32> -> vector<48x8192xf32>
    %get3A_48 = arith.constant 0 : index
    %get3A_49 = arith.constant 0 : index
    %get3A_50 = vector.load %arg4[%get3A_48, %get3A_49] : memref<48x16xf32, #tpu.memory_space<vmem>>, vector<48x16xf32>
    %get3A_51 = arith.constant 0 : index
    %get3A_52 = arith.constant 0 : index
    %get3A_53 = vector.load %arg2[%get3A_51, %get3A_52] : memref<16x8192xf32, #tpu.memory_space<vmem>>, vector<16x8192xf32>
    %dot_general3A_54 = arith.constant dense<0.000000e+00> : vector<48x8192xf32>
    %dot_general3A_55 = tpu.matmul %get3A_50, %get3A_53, %dot_general3A_54 {dimension_numbers = #tpu.dot_dimension_numbers<[1], [0], [0], [1], [0, 0, 1, 1], [], []>, transpose_lhs_hint = false} : vector<48x16xf32>, vector<16x8192xf32>, vector<48x8192xf32> -> vector<48x8192xf32>
    %add3A = arith.addf %concatenate3A, %dot_general3A_55 : vector<48x8192xf32>
    %get3A_56 = arith.constant 0 : index
    %get3A_57 = vector.load %arg5[%get3A_56] : memref<48xf32, #tpu.memory_space<vmem>>, vector<48xf32>
    %broadcast_in_dim3A = vector.shape_cast %get3A_57 : vector<48xf32> to vector<48x1xf32>
    %get3A_58 = arith.constant 0 : index
    %get3A_59 = vector.load %arg6[%get3A_58] : memref<48xf32, #tpu.memory_space<vmem>>, vector<48xf32>
    %broadcast_in_dim3A_60 = vector.shape_cast %get3A_59 : vector<48xf32> to vector<48x1xf32>
    %get3A_61 = arith.constant 0 : index
    %get3A_62 = vector.load %arg7[%get3A_61] : memref<48xf32, #tpu.memory_space<vmem>>, vector<48xf32>
    %broadcast_in_dim3A_63 = vector.shape_cast %get3A_62 : vector<48xf32> to vector<48x1xf32>
    %add3A_64 = vector.broadcast %broadcast_in_dim3A : vector<48x1xf32> to vector<48x8192xf32>
    %add3A_65 = arith.addf %add3A, %add3A_64 : vector<48x8192xf32>
    %reduce_sum3A = arith.constant dense<0.000000e+00> : vector<8192xf32>
    %reduce_sum3A_66 = vector.multi_reduction <add>, %add3A_65, %reduce_sum3A [0] : vector<48x8192xf32> to vector<8192xf32>
    %broadcast_in_dim3A_67 = vector.shape_cast %reduce_sum3A_66 : vector<8192xf32> to vector<1x8192xf32>
    %div3A = arith.constant 4.800000e+01 : f32
    %div3A_68 = vector.broadcast %div3A : f32 to vector<1x8192xf32>
    %div3A_69 = arith.divf %broadcast_in_dim3A_67, %div3A_68 : vector<1x8192xf32>
    %sub3A = vector.broadcast %div3A_69 : vector<1x8192xf32> to vector<48x8192xf32>
    %sub3A_70 = arith.subf %add3A_65, %sub3A : vector<48x8192xf32>
    %mul3A = arith.mulf %sub3A_70, %sub3A_70 : vector<48x8192xf32>
    %reduce_sum3A_71 = arith.constant dense<0.000000e+00> : vector<8192xf32>
    %reduce_sum3A_72 = vector.multi_reduction <add>, %mul3A, %reduce_sum3A_71 [0] : vector<48x8192xf32> to vector<8192xf32>
    %broadcast_in_dim3A_73 = vector.shape_cast %reduce_sum3A_72 : vector<8192xf32> to vector<1x8192xf32>
    %div3A_74 = arith.constant 4.800000e+01 : f32
    %div3A_75 = vector.broadcast %div3A_74 : f32 to vector<1x8192xf32>
    %div3A_76 = arith.divf %broadcast_in_dim3A_73, %div3A_75 : vector<1x8192xf32>
    %add3A_77 = arith.constant 9.99999974E-6 : f32
    %add3A_78 = vector.broadcast %add3A_77 : f32 to vector<1x8192xf32>
    %add3A_79 = arith.addf %div3A_76, %add3A_78 : vector<1x8192xf32>
    %rsqrt3A = math.rsqrt %add3A_79 : vector<1x8192xf32>
    %mul3A_80 = vector.broadcast %rsqrt3A : vector<1x8192xf32> to vector<48x8192xf32>
    %mul3A_81 = arith.mulf %sub3A_70, %mul3A_80 : vector<48x8192xf32>
    %mul3A_82 = vector.broadcast %broadcast_in_dim3A_60 : vector<48x1xf32> to vector<48x8192xf32>
    %mul3A_83 = arith.mulf %mul3A_81, %mul3A_82 : vector<48x8192xf32>
    %add3A_84 = vector.broadcast %broadcast_in_dim3A_63 : vector<48x1xf32> to vector<48x8192xf32>
    %add3A_85 = arith.addf %mul3A_83, %add3A_84 : vector<48x8192xf32>
    %max3A = arith.constant 0.000000e+00 : f32
    %max3A_86 = vector.broadcast %max3A : f32 to vector<48x8192xf32>
    %max3A_87 = arith.maximumf %add3A_85, %max3A_86 : vector<48x8192xf32>
    %swap3A = arith.constant 0 : index
    %swap3A_88 = arith.constant 0 : index
    %swap3A_89 = vector.load %arg8[%swap3A, %swap3A_88] : memref<48x8192xf32, #tpu.memory_space<vmem>>, vector<48x8192xf32>
    tpu.vector_store %arg8[%swap3A, %swap3A_88], %max3A_87 {strides = array<i32>} : memref<48x8192xf32, #tpu.memory_space<vmem>>, vector<48x8192xf32>,
    return
  }
  func.func @transform_0(%arg0: i32) -> (i32, i32) {
    %c0_i32 = arith.constant 0 : i32
    %c0_i32_0 = arith.constant 0 : i32
    return %arg0, %c0_i32 : i32, i32
  }
  func.func @transform_1(%arg0: i32) -> (i32, i32) {
    %c0_i32 = arith.constant 0 : i32
    %c0_i32_0 = arith.constant 0 : i32
    return %c0_i32, %arg0 : i32, i32
  }
  func.func @transform_2(%arg0: i32) -> (i32, i32) {
    %c0_i32 = arith.constant 0 : i32
    %c0_i32_0 = arith.constant 0 : i32
    %c0_i32_1 = arith.constant 0 : i32
    return %c0_i32, %c0_i32_0 : i32, i32
  }
  func.func @transform_3(%arg0: i32) -> (i32, i32) {
    %c0_i32 = arith.constant 0 : i32
    %c0_i32_0 = arith.constant 0 : i32
    %c0_i32_1 = arith.constant 0 : i32
    return %c0_i32, %c0_i32_0 : i32, i32
  }
  func.func @transform_4(%arg0: i32) -> i32 {
    %c0_i32 = arith.constant 0 : i32
    %c0_i32_0 = arith.constant 0 : i32
    return %c0_i32 : i32
  }
  func.func @transform_5(%arg0: i32) -> i32 {
    %c0_i32 = arith.constant 0 : i32
    %c0_i32_0 = arith.constant 0 : i32
    return %c0_i32 : i32
  }
  func.func @transform_6(%arg0: i32) -> i32 {
    %c0_i32 = arith.constant 0 : i32
    %c0_i32_0 = arith.constant 0 : i32
    return %c0_i32 : i32
  }
  func.func @transform_7(%arg0: i32) -> (i32, i32) {
    %c0_i32 = arith.constant 0 : i32
    %c0_i32_0 = arith.constant 0 : i32
    return %c0_i32, %arg0 : i32, i32
  }
}

</mosaic_0001>

<sc_bundles>
// kernel: kernel.4.cloned.1.call-start
scs
__scs_entry_jumppad:
0x0: {  	(pc) =	sbr.rel $0x88, $3  }
0x1: {  	(tag) =	ssettag $0x0;
	lr =	simm.s32 $0x1  }
0x2: {  	[smem:$0x3F9A] =	sst lr;
	_ =	strace $0xD0000000  }
0x3: {  	_ = 	snop  }
0x4: {  	_ = 	snop  }
0x5: {  	_ = 	snop  }
0x6: {  	_ = 	snop  }
0x7: {  	_ = 	snop  }
__scs_overlays_trampoline_lowered:
0x8: {  	[smem:$0x3FA9] =	sst s0  }
0x9: {  	[smem:$0x3FAA] =	sst s1  }
0xa: {  	[smem:$0x3FAB] =	sst s2  }
0xb: {  	[smem:$0x3FAC] =	sst s3  }
0xc: {  	[smem:$0x3FAD] =	sst s4  }
0xd: {  	[smem:$0x3FAE] =	sst s5  }
0xe: {  	[smem:$0x3FAF] =	sst s6  }
0xf: {  	[smem:$0x3FB0] =	sst s7  }
0x10: {  	[smem:$0x3FB1] =	sst s8  }
0x11: {  	[smem:$0x3FB2] =	sst s9;
	s0 =	simm.s32 @!p0 $0x0  }
0x12: {  	s1 =	sld [smem:$0x3F98];
	s0 =	simm.s32 @p0 $0x1  }
0x13: {  	[smem:$0x3FB3] =	sst s0;
	s0 =	simm.s32 @!p1 $0x0  }
0x14: {  	s2 =	sld [smem:$0x3F97];
	s0 =	simm.s32 @p1 $0x1  }
0x15: {  	[smem:$0x3FB4] =	sst s0;
	s0 =	simm.s32 @!p2 $0x0  }
0x16: {  	s3 =	sld [smem:$0x3FDB];
	s0 =	simm.s32 @p2 $0x1  }
0x17: {  	s4 =	simm.s32 $0x1BF5;
	[smem:$0x3FB6] =	sst s0  }
0x18: {  	s0 =	sld [smem:$0x3F99];
	_ =	swait.ge [sflag:s4], $0x0  }
0x19: {  	s7 =	sld [smem:$0x3F9A]  }
0x1a: {  	s8 =	sadd.s32 $0xFFFFE003, lr  }
0x1b: {  	s9 =	sadd.s32 $0xFFFFFEF7, lr;
	s5 =	simm.s32 $0xFFFFFFFF;
	p2 =	slt.u32 s8, $0xFFFFF086  }
0x1c: {  	p1 =	slt.u32 s9, $0xF7A;
	s5 =	simm.s32 @!p2 $0x0  }
0x1d: {  	s5 =	simm.s32 @p1 $0x1;
	p0 =	seq.s32 s7, s2  }
0x1e: {  	s7 =	smul.u32 @!p0 $0xF7A, s2;
	p2 =	seq.s32 @!p0 s5, $0x0  }
0x1f: {  	s9 =	smul.u32 $0xF7A, s1;
	s8 =	simm.s32 @!p0 $0x1BF5;
	p2 =	por !p2, p0  }
0x20: {  	[sflag:s8] =	ssyncset.s32 @!p0 $0xFFFFF086;
	s6 =	sadd.s32 @!p0 s3, s7;
	s7 =	simm.s32 @!p0 $0x108  }
0x21: {  	s3 =	sadd.s32 s3, s9;
	s6 =	sadd.s32 @!p0 $0x88, s6;
	s7 =	simm.s32 @p2 $0x1082  }
0x22: {  	[simem:s7], [sflag:s8] =	dma.local @!p0 [hbm:s6], $0xF7A  }
0x23: {  	s9 =	sor.u32 $0xD0000000, s2;
	s6 =	simm.s32 $0x108;
	_ =	swait.ge @!p0 [sflag:s8], $0x0  }
0x24: {  	s3 =	sadd.s32 $0x88, s3;
	s6 =	simm.s32 @!p1 $0x1082;
	[sflag:s4] =	ssyncset.s32 $0xFFFFF086  }
0x25: {  	[simem:s6], [sflag:s4] =	dma.local [hbm:s3], $0xF7A  }
0x26: {  	[smem:$0x3F9A] =	sst s1;
	(tag) =	ssettag s2;
	_ =	strace s9  }
0x27: {  	s1 =	sld [smem:$0x3FAA]  }
0x28: {  	s2 =	sld [smem:$0x3FAB]  }
0x29: {  	s4 =	sld [smem:$0x3FAD]  }
0x2a: {  	p0 =	seq.s32 s5, $0x0;
	s5 =	sld [smem:$0x3FAE]  }
0x2b: {  	s6 =	sld [smem:$0x3FAF]  }
0x2c: {  	s7 =	sld [smem:$0x3FB0]  }
0x2d: {  	s3 =	simm.s32 $0x108;
	s8 =	sld [smem:$0x3FB1]  }
0x2e: {  	s3 =	simm.s32 @!p0 $0x1082;
	s9 =	sld [smem:$0x3FB2]  }
0x2f: {  	lr =	sadd.s32 s0, s3;
	s0 =	sld [smem:$0x3FA9]  }
0x30: {  	s3 =	sld [smem:$0x3FAC]  }
0x31: {  	[smem:$0x3FB5] =	sst s10  }
0x32: {  	s10 =	sld [smem:$0x3FB3];
	_ =	sdelay $0x3  }
0x33: {  	p0 =	seq.s32 s10, $0x1;
	s10 =	sld [smem:$0x3FB5];
	_ =	sdelay $0x3  }
0x34: {  	[smem:$0x3FB5] =	sst s10  }
0x35: {  	s10 =	sld [smem:$0x3FB4];
	_ =	sdelay $0x3  }
0x36: {  	p1 =	seq.s32 s10, $0x1;
	s10 =	sld [smem:$0x3FB5];
	_ =	sdelay $0x3  }
0x37: {  	[smem:$0x3FB5] =	sst s10  }
0x38: {  	s10 =	sld [smem:$0x3FB6]  }
0x39: {  	_ = 	snop;
	(pc) =	sbr.ind lr, $3  }
0x3a: {  	_ = 	snop  }
0x3b: {  	_ = 	snop  }
0x3c: {  	p2 =	seq.s32 s10, $0x1;
	s10 =	sld [smem:$0x3FB5]  }
0x3d: {  	_ =	shalt  }
0x3e: {  	_ =	shalt  }
0x3f: {  	_ =	shalt  }
0x40: {  	_ =	shalt  }
0x41: {  	_ =	shalt  }
0x42: {  	_ =	shalt  }
0x43: {  	_ =	shalt  }
0x44: {  	_ =	shalt  }
0x45: {  	_ =	shalt  }
0x46: {  	_ =	shalt  }
0x47: {  	_ =	shalt  }
0x48: {  	_ =	shalt  }
0x49: {  	_ =	shalt  }
0x4a: {  	_ =	shalt  }
0x4b: {  	_ =	shalt  }
0x4c: {  	_ =	shalt  }
0x4d: {  	_ =	shalt  }
0x4e: {  	_ =	shalt  }
0x4f: {  	_ =	shalt  }
0x50: {  	_ =	shalt  }
0x51: {  	_ =	shalt  }
0x52: {  	_ =	shalt  }
0x53: {  	_ =	shalt  }
0x54: {  	_ =	shalt  }
0x55: {  	_ =	shalt  }
0x56: {  	_ =	shalt  }
0x57: {  	_ =	shalt  }
0x58: {  	_ =	shalt  }
0x59: {  	_ =	shalt  }
0x5a: {  	_ =	shalt  }
0x5b: {  	_ =	shalt  }
0x5c: {  	_ =	shalt  }
0x5d: {  	_ =	shalt  }
0x5e: {  	_ =	shalt  }
0x5f: {  	_ =	shalt  }
0x60: {  	_ =	shalt  }
0x61: {  	_ =	shalt  }
0x62: {  	_ =	shalt  }
0x63: {  	_ =	shalt  }
0x64: {  	_ =	shalt  }
0x65: {  	_ =	shalt  }
0x66: {  	_ =	shalt  }
0x67: {  	_ =	shalt  }
0x68: {  	_ =	shalt  }
0x69: {  	_ =	shalt  }
0x6a: {  	_ =	shalt  }
0x6b: {  	_ =	shalt  }
0x6c: {  	_ =	shalt  }
0x6d: {  	_ =	shalt  }
0x6e: {  	_ =	shalt  }
0x6f: {  	_ =	shalt  }
0x70: {  	_ =	shalt  }
0x71: {  	_ =	shalt  }
0x72: {  	_ =	shalt  }
0x73: {  	_ =	shalt  }
0x74: {  	_ =	shalt  }
0x75: {  	_ =	shalt  }
0x76: {  	_ =	shalt  }
0x77: {  	_ =	shalt  }
0x78: {  	_ =	shalt  }
0x79: {  	_ =	shalt  }
0x7a: {  	_ =	shalt  }
0x7b: {  	_ =	shalt  }
0x7c: {  	_ =	shalt  }
0x7d: {  	_ =	shalt  }
0x7e: {  	_ =	shalt  }
0x7f: {  	_ =	shalt  }
0x80: {  	_ =	shalt  }
0x81: {  	_ =	shalt  }
0x82: {  	_ =	shalt  }
0x83: {  	_ =	shalt  }
0x84: {  	_ =	shalt  }
0x85: {  	_ =	shalt  }
0x86: {  	_ =	shalt  }
0x87: {  	_ =	shalt  }
.Lfunc_end0:
.L_simem_size_0:
called_computation_lowered:
.L_overlay_start_0:
0x88: {  	s0 =	sld [smem:$0x3FD9]  }
0x89: {  	s1 =	sld [smem:$0x3FFE];
	_ =	sdelay $0x3  }
0x8a: {  	s0 =	sadd.s32 s1, s0  }
0x8b: {  	[smem:$0x3FC1] =	sst s0  }
0x8c: {  	_ = 	snop  }
0x8d: {  	s0 =	sld [smem:$0x3FC9]  }
0x8e: {  	s16 =	sld [smem:$0x3FD0];
	(tm) =	ssettm $0x1  }
0x8f: {  	s2 =	sld [smem:$0x3FFB];
	_ =	sdelay $0x3  }
0x90: {  	_ =	strace s2  }
0x91: {  	s2 =	sld [smem:$0x3FFC];
	_ =	sdelay $0x3  }
0x92: {  	_ =	strace s2  }
0x93: {  	s2 =	sld [smem:$0x3FFD];
	_ =	sdelay $0x3  }
0x94: {  	_ =	strace s2  }
0x95: {  	_ =	strace $0x8FFFFFFF  }
0x96: {  	s17 =	sld [smem:$0x3FDB];
	_ =	sdelay $0x1  }
0x97: {  	s3 =	simm.s32 $_scs_section_size  }
0x98: {  	s4 =	simm.s32 $_size__tile_overlayer_lowered;
	s5 =	simm.s32 $_tile_overlayer_lowered  }
0x99: {  	s20 =	simm.s32 $0x1BFF;
	s19 =	sshll.u32 s5, $0x1;
	s2 =	sadd.s32 s3, s17  }
0x9a: {  	s6 =	simm.s32 $0x0;
	s18 =	sshll.u32 s4, $0x1;
	s4 =	sadd.s32 s19, s2  }
0x9b: {  	[timem:s6], [sflag:s20] =	dma.local [hbm:s4], s18  }
0x9c: {  	_ =	swait.ge [sflag:s20], s18  }
0x9d: {  	s3 =	ssub.s32 $0x0, s18;
	[sflag:s20] =	ssyncset.done $0x0  }
0x9e: {  	[sflag:s20] =	ssyncadd.s32 s3;
	_ =	sdelay $0x1  }
0x9f: {  	s21 =	simm.s32 $0x1B8B  }
0xa0: {  	_ =	swait.ge [sflag:s21], $0x1  }
0xa1: {  	[sflag:s21] =	ssyncset.done $0x0  }
0xa2: {  	s23 =	simm.s32 $0x1B8E;
	s22 =	sld [smem:$0x3FFE];
	[sflag:s21] =	ssyncadd.s32 $0xFFFFFFFF  }
0xa3: {  	s24 =	simm.s32 $execute0_lowered;
	[smem:$0x3FD2] =	sst s23  }
0xa4: {  	s4 =	sshll.u32 s24, $0x1;
	_ =	strace $0x80000046;
	[dreg:$0x1] =	wrdreg $0xFFFFFFFF  }
0xa5: {  	s25 =	simm.s32 $_size_execute0_lowered;
	s2 =	sadd.s32 s2, s4;
	[dreg:$0x0] =	wrdreg $0x0  }
0xa6: {  	s4 =	sshll.u32 s25, $0x1;
	[dreg:$0x2] =	wrdreg s2  }
0xa7: {  	[dreg:$0x3] =	wrdreg s4  }
0xa8: {  	[dreg:$0x4] =	wrdreg $0xC0  }
0xa9: {  	_ =	task [dreg:s6], $0x5FFFF  }
0xaa: {  	[dreg:$0x1] =	wrdreg $0xFFFFFFFF  }
0xab: {  	[dreg:$0x0] =	wrdreg $0x60  }
0xac: {  	[dreg:$0x2] =	wrdreg s22  }
0xad: {  	[dreg:$0x3] =	wrdreg s0  }
0xae: {  	[dreg:$0x4] =	wrdreg s16  }
0xaf: {  	[dreg:$0x5] =	wrdreg $0x9  }
0xb0: {  	_ =	task.clear_ibuf [dreg:s6], $0x6FFFF;
	_ =	strace $0x90000046  }
0xb1: {  	s26 =	simm.s32 $0x9;
	_ =	strace $0x80000048  }
0xb2: {  	_ =	swait.ge [sflag:s26], $0x1  }
0xb3: {  	[sflag:s26] =	ssyncadd.s32 $0xFFFFFFFF  }
0xb4: {  	_ =	strace $0x90000048  }
0xb5: {  	_ =	sfence  }
0xb6: {  	s28 =	sld [smem:$0x0];
	_ =	sdelay $0x1  }
0xb7: {  	s29 =	srdreg.scid  }
0xb8: {  	s30 =	sshll.u32 s29, $0xD;
	s31 =	sshrl.u32 s29, $0x2  }
0xb9: {  	s1 =	sand.u32 $0x1, s29;
	s2 =	sand.u32 $0x4000, s30;
	s0 =	sadd.s32 s31, s28  }
0xba: {  	s1 =	sor.u32 s2, s1;
	s0 =	sshll.u32 s0, $0x11  }
0xbb: {  	s0 =	sor.u32 s0, s1  }
0xbc: {  	s0 =	sadd.s32 $0x8F2B, s0  }
0xbd: {  	[sflag:s0] =	ssyncadd.remote.s32 $0x1  }
0xbe: {  	_ =	sfence.sel $0xFFFF  }
0xbf: {  	[dreg:$0x0] =	wrdreg $0xFFFFFFFF;
	(pc) =	sbr.abs _section_cstart, $3  }
0xc0: {  	[dreg:$0x1] =	wrdreg $0xFFFFFFFF  }
0xc1: {  	_ =	task.clear_ibuf [dreg:s6], $0x2FFFF;
	_ =	strace $0x9FFFFFFF  }
0xc2: {  	(tm) =	ssettm $0x7FFFFFFF  }
0xc3: {  	_ =	shalt  }
tec
execute0_lowered:
.L_overlay_start_1:
0x0: {  	(tag) =	ssettag $0x1  }
0x1: {  	s0 =	rddreg [dreg:$0x0]  }
0x2: {  	s1 =	rddreg [dreg:$0x1]  }
0x3: {  	s2 =	rddreg [dreg:$0x2]  }
0x4: {  	s3 =	rddreg [dreg:$0x3];
	s4 =	simm.s32 $0x0;
	s5 =	stileid.u32  }
0x5: {  	[smem:$0x7FF] =	sst s4;
	s6 =	sshll.u32 s5, $0x7  }
0x6: {  	s24 =	simm.s32 $0x2;
	_ =	strace $0x80000047;
	s1 =	sadd.s32 s1, s6  }
0x7: {  	[tilespmem:s4], [sflag:$0x2] =	stream.linear.gather [hbm4b:s1+s4], $0x400, $0x38;
	[tilespmem:$0x8400] =	vst v63  }
0x8: {  	s7 =	simm.s32 $0x400;
	_ =	swait.ge [sflag:s24], $0x400  }
0x9: {  	s29 =	simm.s32 $0x1;
	s30 =	simm.s32 $0x20;
	[sflag:s24] =	ssyncset.done $0x0  }
0xa: {  	s0 =	sadd.s32 $0x1000, s0;
	s25 =	sshll.u32 s5, $0x2;
	[sflag:s24] =	ssyncadd.s32 $0xFFFFFC00  }
0xb: {  	[tilespmem:s7], [sflag:$0x1] =	stream.indirect.gather [hbm4b:s0+s7], $0x20, s4, s7, $0xb8;
	[tilespmem:$0x8400] =	vst v63  }
0xc: {  	s26 =	sshll.u32 s5, $0xC;
	s28 =	sand.u32 $0xC, s25;
	_ =	swait.ge [sflag:s29], $0x8000  }
0xd: {  	s2 =	sadd.s32 s2, s28;
	s0 =	sand.u32 $0xC000, s26;
	[sflag:s29] =	ssyncset.done $0x0  }
0xe: {  	s31 =	simm.s32 $0x80;
	s0 =	sadd.s32 s0, s2;
	[sflag:s29] =	ssyncadd.s32 $0xFFFF8000  }
0xf: {  	[hbm4b:s0+s30] =	stream.strided.scatter [tilespmem:s7], [sflag:$0x2], $0x8000, s31, s30, $0x38;
	[tilespmem:$0x8400] =	vst v63  }
0x10: {  	_ =	swait.ge [sflag:s24], $0x8000  }
0x11: {  	[sflag:s24] =	ssyncset.done $0x0  }
0x12: {  	[sflag:s24] =	ssyncadd.s32 $0xFFFF8000  }
0x13: {  	_ =	sfence.sel $0x180000  }
0x14: {  	[bflag:$0x0] =	sbarrier.arrive $0xFFFF  }
0x15: {  	p0 =	sne.s32 s5, $0x0;
	_ =	strace $0x90000047  }
0x16: {  	s0 =	sadd.s32 @!p0 $0x100000, s3;
	[bflag:$0x2] =	sbarrier.arrive $0xFFFF  }
0x17: {  	[sflag:s0] =	ssyncadd.tile.s32 @!p0 $0x1;
	_ =	shalt  }
.Lfunc_end2:
_tile_overlayer_lowered:
.L_overlay_start_2:
0x18: {  	(tag) =	ssettag $0x2  }
0x19: {  	s0 =	rddreg [dreg:$0x0];
	s2 =	stileid.u32  }
0x1a: {  	s1 =	rddreg [dreg:$0x1];
	p0 =	sne.s32 s2, $0x0  }
0x1b: {  	s3 =	rddreg [dreg:$0x2];
	[bflag:$0x3] =	sbarrier.arrive $0xFFFF;
	s2 =	simm.s32 @!p0 $0x1C02  }
0x1c: {  	[timem:s3], [sflag:s2] =	dma.local @!p0 [hbm:s0], s1  }
0x1d: {  	s0 =	simm.s32 @!p0 $0x2  }
0x1e: {  	_ =	swait.ge @!p0 [sflag:s0], s1  }
0x1f: {  	s1 =	ssub.s32 @!p0 $0x0, s1;
	[sflag:s0] =	ssyncset.done @!p0 $0x0  }
0x20: {  	[sflag:s0] =	ssyncadd.s32 @!p0 s1  }
0x21: {  	[bflag:$0x3] =	sbarrier.arrive $0xFFFF  }
0x22: {  	_ =	shalt  }

</sc_bundles>
